<compile_context>
chip_gen: v7x
topology: tpu7x:2x2x1
jax: 0.10.2.dev20260603
libtpu: 0.0.44.dev20260713+nightly
codegen_flags: <defaults>
</compile_context>

<pallas_src>
import functools

import jax
import jax.numpy as jnp
from jax import lax
from jax.experimental import pallas as pl
from jax.experimental.pallas import tpu as pltpu
from jax.experimental.pallas import tpu_sc as plsc

_NUM_ROWS = 1025
_DIM = 768


def kernel(table):
    info = plsc.get_sparse_core_info()
    nc, ns = info.num_cores, info.num_subcores
    nw = nc * ns
    rows_per_w = _NUM_ROWS // nw
    chunk = rows_per_w // 4
    rem = _NUM_ROWS - rows_per_w * nw
    tail = nw * rows_per_w

    mesh = plsc.VectorSubcoreMesh(core_axis_name="c", subcore_axis_name="s")

    @functools.partial(
        pl.kernel,
        mesh=mesh,
        out_type=jax.ShapeDtypeStruct((1, _NUM_ROWS, _DIM), jnp.float32),
        scratch_types=[
            pltpu.VMEM((chunk, _DIM), jnp.float32),
            pltpu.VMEM((chunk, _DIM), jnp.float32),
            pltpu.VMEM((rem, _DIM), jnp.float32),
            pltpu.SemaphoreType.DMA,
            pltpu.SemaphoreType.DMA,
            pltpu.SemaphoreType.DMA,
        ],
    )
    def copy_rows(table_hbm, out_hbm, buf0, buf1, tail_buf, sem0, sem1, sem2):
        wid = lax.axis_index("s") * nc + lax.axis_index("c")
        base = wid * rows_per_w
        bufs = (buf0, buf1)
        sems = (sem0, sem1)
        quarter = chunk
        n_chunks = rows_per_w // quarter

        gathers = [None, None]
        scatters = [None, None]
        for i in range(n_chunks):
            k = i % 2
            if scatters[k] is not None:
                scatters[k].wait()
            gathers[k] = pltpu.async_copy(
                table_hbm.at[pl.ds(base + i * quarter, quarter)], bufs[k], sems[k]
            )
            if i >= 1:
                j = (i - 1) % 2
                gathers[j].wait()
                scatters[j] = pltpu.async_copy(
                    bufs[j],
                    out_hbm.at[0, pl.ds(base + (i - 1) * quarter, quarter)],
                    sems[j],
                )
        last = n_chunks - 1
        gathers[last % 2].wait()
        scatters[last % 2] = pltpu.async_copy(
            bufs[last % 2],
            out_hbm.at[0, pl.ds(base + last * quarter, quarter)],
            sems[last % 2],
        )

        @pl.when(wid == nw - 1)
        def _copy_tail():
            gt = pltpu.async_copy(table_hbm.at[pl.ds(tail, rem)], tail_buf, sem2)
            gt.wait()
            pltpu.async_copy(tail_buf, out_hbm.at[0, pl.ds(tail, rem)], sem2).wait()

        scatters[0].wait()
        scatters[1].wait()

    return copy_rows(table)

# --- scband reference (transcript-rebuilt; emitter-appended) ---
"""Pipeline reference for scband-location-encoder-44143673868383 (READ-ONLY COPY).

The authoritative reference and input builder live on the scoring server;
editing this copy changes nothing except your own understanding.
"""

import jax, jax.numpy as jnp
import numpy as np

NUM_PATCHES_PLUS_1 = 1024 + 1  # module adds 1 in __init__
PROJ_DIM = 768


def setup_inputs(seed: int = 0) -> dict:
    key = jax.random.key(seed)
    # Learned positional embedding table, sized per init_kwargs
    table = jax.random.normal(key, (NUM_PATCHES_PLUS_1, PROJ_DIM), dtype=jnp.float32) * 0.02
    return {"table": table}


def reference(table):
    # Faithful translation of LocationEncoder.call():
    #   range = tf.range(0, number_of_patches+1)
    #   pos = Embedding(...)(range)    -> gather rows of table
    #   return tf.expand_dims(pos, 0)
    idx = jnp.arange(NUM_PATCHES_PLUS_1, dtype=jnp.int32)
    position_embedding = jnp.take(table, idx, axis=0)
    expanded = jnp.expand_dims(position_embedding, axis=0)
    return expanded

if __name__ == "__main__":
    import jax
    _d = setup_inputs()
    print(jax.jit(kernel)(*tuple(_d.values())))

</pallas_src>

<mosaic_0001>
#map = affine_map<(d0, d1) -> (0, 0)>
#map1 = affine_map<(d0, d1) -> (0, 0, 0)>
module attributes {stable_mosaic.version = 14 : i64} {
  func.func @copy_rows(%arg0: i32, %arg1: i32, %arg2: memref<1025x768xf32, #tpu.memory_space<hbm>>, %arg3: memref<1x1025x768xf32, #tpu.memory_space<hbm>>, %arg4: memref<8x768xf32, #tpu.memory_space<vmem>>, %arg5: memref<8x768xf32, #tpu.memory_space<vmem>>, %arg6: memref<1x768xf32, #tpu.memory_space<vmem>>, %arg7: memref<!tpu.dma_semaphore, #tpu.memory_space<semaphore_mem>>, %arg8: memref<!tpu.dma_semaphore, #tpu.memory_space<semaphore_mem>>, %arg9: memref<!tpu.dma_semaphore, #tpu.memory_space<semaphore_mem>>) attributes {dimension_semantics = [#tpu.dimension_semantics<core_parallel>, #tpu.dimension_semantics<subcore_parallel>], iteration_bounds = array<i64: 2, 16>, scalar_prefetch = 0 : i64, scratch_operands = 6 : i64, tpu.core_type = #tpu.core_type<sc_vector_subcore>, window_params = [{transform_indices = #map}, {transform_indices = #map1}]} {
    %mul3A = arith.constant 2 : i32
    %mul3A_0 = arith.muli %arg1, %mul3A : i32
    %add3A = arith.addi %mul3A_0, %arg0 : i32
    %mul3A_1 = arith.constant 32 : i32
    %mul3A_2 = arith.muli %add3A, %mul3A_1 : i32
    %add3A_3 = arith.constant 0 : i32
    %add3A_4 = arith.addi %mul3A_2, %add3A_3 : i32
    %dma_start3A = arith.constant 0 : i32
    %dma_start3A_5 = tpu.memref_slice %arg2[%add3A_4, %dma_start3A] : memref<1025x768xf32, #tpu.memory_space<hbm>> -> memref<8x768xf32, #tpu.memory_space<hbm>>
    %dma_start3A_6 = arith.constant 0 : i32
    %dma_start3A_7 = tpu.memref_slice %arg2[%add3A_4, %dma_start3A_6] : memref<1025x768xf32, #tpu.memory_space<hbm>> -> memref<8x768xf32, #tpu.memory_space<hbm>>
    tpu.enqueue_dma source(%dma_start3A_7 : memref<8x768xf32, #tpu.memory_space<hbm>>) target(%arg4 : memref<8x768xf32, #tpu.memory_space<vmem>>) target_semaphore(%arg7 : memref<!tpu.dma_semaphore, #tpu.memory_space<semaphore_mem>>)
    %add3A_8 = arith.constant 8 : i32
    %add3A_9 = arith.addi %mul3A_2, %add3A_8 : i32
    %dma_start3A_10 = arith.constant 0 : i32
    %dma_start3A_11 = tpu.memref_slice %arg2[%add3A_9, %dma_start3A_10] : memref<1025x768xf32, #tpu.memory_space<hbm>> -> memref<8x768xf32, #tpu.memory_space<hbm>>
    %dma_start3A_12 = arith.constant 0 : i32
    %dma_start3A_13 = tpu.memref_slice %arg2[%add3A_9, %dma_start3A_12] : memref<1025x768xf32, #tpu.memory_space<hbm>> -> memref<8x768xf32, #tpu.memory_space<hbm>>
    tpu.enqueue_dma source(%dma_start3A_13 : memref<8x768xf32, #tpu.memory_space<hbm>>) target(%arg5 : memref<8x768xf32, #tpu.memory_space<vmem>>) target_semaphore(%arg8 : memref<!tpu.dma_semaphore, #tpu.memory_space<semaphore_mem>>)
    %dma_wait3A = arith.constant 0 : i32
    %dma_wait3A_14 = tpu.memref_slice %arg2[%add3A_4, %dma_wait3A] : memref<1025x768xf32, #tpu.memory_space<hbm>> -> memref<8x768xf32, #tpu.memory_space<hbm>>
    %dma_wait3A_15 = arith.constant 0 : i32
    %dma_wait3A_16 = tpu.memref_slice %arg2[%add3A_4, %dma_wait3A_15] : memref<1025x768xf32, #tpu.memory_space<hbm>> -> memref<8x768xf32, #tpu.memory_space<hbm>>
    tpu.wait_dma2 semaphore(%arg7 : memref<!tpu.dma_semaphore, #tpu.memory_space<semaphore_mem>>) src(%dma_wait3A_16 : memref<8x768xf32, #tpu.memory_space<hbm>>) dst(%arg4 : memref<8x768xf32, #tpu.memory_space<vmem>>)
    %add3A_17 = arith.constant 0 : i32
    %add3A_18 = arith.addi %mul3A_2, %add3A_17 : i32
    %dma_start3A_19 = arith.constant 0 : i32
    %dma_start3A_20 = arith.constant 0 : i32
    %dma_start3A_21 = tpu.memref_slice %arg3[%dma_start3A_19, %add3A_18, %dma_start3A_20] : memref<1x1025x768xf32, #tpu.memory_space<hbm>> -> memref<1x8x768xf32, #tpu.memory_space<hbm>>
    %dma_start3A_22 = tpu.memref_squeeze %dma_start3A_21 : memref<1x8x768xf32, #tpu.memory_space<hbm>> -> memref<8x768xf32, #tpu.memory_space<hbm>>
    %dma_start3A_23 = arith.constant 0 : i32
    %dma_start3A_24 = tpu.memref_slice %arg3[%dma_start3A_19, %add3A_18, %dma_start3A_23] : memref<1x1025x768xf32, #tpu.memory_space<hbm>> -> memref<1x8x768xf32, #tpu.memory_space<hbm>>
    %dma_start3A_25 = tpu.memref_squeeze %dma_start3A_24 : memref<1x8x768xf32, #tpu.memory_space<hbm>> -> memref<8x768xf32, #tpu.memory_space<hbm>>
    tpu.enqueue_dma source(%arg4 : memref<8x768xf32, #tpu.memory_space<vmem>>) target(%dma_start3A_25 : memref<8x768xf32, #tpu.memory_space<hbm>>) target_semaphore(%arg7 : memref<!tpu.dma_semaphore, #tpu.memory_space<semaphore_mem>>)
    %dma_wait3A_26 = arith.constant 0 : i32
    %dma_wait3A_27 = arith.constant 0 : i32
    %dma_wait3A_28 = tpu.memref_slice %arg3[%dma_wait3A_26, %add3A_18, %dma_wait3A_27] : memref<1x1025x768xf32, #tpu.memory_space<hbm>> -> memref<1x8x768xf32, #tpu.memory_space<hbm>>
    %dma_wait3A_29 = tpu.memref_squeeze %dma_wait3A_28 : memref<1x8x768xf32, #tpu.memory_space<hbm>> -> memref<8x768xf32, #tpu.memory_space<hbm>>
    %dma_wait3A_30 = arith.constant 0 : i32
    %dma_wait3A_31 = tpu.memref_slice %arg3[%dma_wait3A_26, %add3A_18, %dma_wait3A_30] : memref<1x1025x768xf32, #tpu.memory_space<hbm>> -> memref<1x8x768xf32, #tpu.memory_space<hbm>>
    %dma_wait3A_32 = tpu.memref_squeeze %dma_wait3A_31 : memref<1x8x768xf32, #tpu.memory_space<hbm>> -> memref<8x768xf32, #tpu.memory_space<hbm>>
    tpu.wait_dma2 semaphore(%arg7 : memref<!tpu.dma_semaphore, #tpu.memory_space<semaphore_mem>>) src(%arg4 : memref<8x768xf32, #tpu.memory_space<vmem>>) dst(%dma_wait3A_32 : memref<8x768xf32, #tpu.memory_space<hbm>>)
    %add3A_33 = arith.constant 16 : i32
    %add3A_34 = arith.addi %mul3A_2, %add3A_33 : i32
    %dma_start3A_35 = arith.constant 0 : i32
    %dma_start3A_36 = tpu.memref_slice %arg2[%add3A_34, %dma_start3A_35] : memref<1025x768xf32, #tpu.memory_space<hbm>> -> memref<8x768xf32, #tpu.memory_space<hbm>>
    %dma_start3A_37 = arith.constant 0 : i32
    %dma_start3A_38 = tpu.memref_slice %arg2[%add3A_34, %dma_start3A_37] : memref<1025x768xf32, #tpu.memory_space<hbm>> -> memref<8x768xf32, #tpu.memory_space<hbm>>
    tpu.enqueue_dma source(%dma_start3A_38 : memref<8x768xf32, #tpu.memory_space<hbm>>) target(%arg4 : memref<8x768xf32, #tpu.memory_space<vmem>>) target_semaphore(%arg7 : memref<!tpu.dma_semaphore, #tpu.memory_space<semaphore_mem>>)
    %dma_wait3A_39 = arith.constant 0 : i32
    %dma_wait3A_40 = tpu.memref_slice %arg2[%add3A_9, %dma_wait3A_39] : memref<1025x768xf32, #tpu.memory_space<hbm>> -> memref<8x768xf32, #tpu.memory_space<hbm>>
    %dma_wait3A_41 = arith.constant 0 : i32
    %dma_wait3A_42 = tpu.memref_slice %arg2[%add3A_9, %dma_wait3A_41] : memref<1025x768xf32, #tpu.memory_space<hbm>> -> memref<8x768xf32, #tpu.memory_space<hbm>>
    tpu.wait_dma2 semaphore(%arg8 : memref<!tpu.dma_semaphore, #tpu.memory_space<semaphore_mem>>) src(%dma_wait3A_42 : memref<8x768xf32, #tpu.memory_space<hbm>>) dst(%arg5 : memref<8x768xf32, #tpu.memory_space<vmem>>)
    %add3A_43 = arith.constant 8 : i32
    %add3A_44 = arith.addi %mul3A_2, %add3A_43 : i32
    %dma_start3A_45 = arith.constant 0 : i32
    %dma_start3A_46 = arith.constant 0 : i32
    %dma_start3A_47 = tpu.memref_slice %arg3[%dma_start3A_45, %add3A_44, %dma_start3A_46] : memref<1x1025x768xf32, #tpu.memory_space<hbm>> -> memref<1x8x768xf32, #tpu.memory_space<hbm>>
    %dma_start3A_48 = tpu.memref_squeeze %dma_start3A_47 : memref<1x8x768xf32, #tpu.memory_space<hbm>> -> memref<8x768xf32, #tpu.memory_space<hbm>>
    %dma_start3A_49 = arith.constant 0 : i32
    %dma_start3A_50 = tpu.memref_slice %arg3[%dma_start3A_45, %add3A_44, %dma_start3A_49] : memref<1x1025x768xf32, #tpu.memory_space<hbm>> -> memref<1x8x768xf32, #tpu.memory_space<hbm>>
    %dma_start3A_51 = tpu.memref_squeeze %dma_start3A_50 : memref<1x8x768xf32, #tpu.memory_space<hbm>> -> memref<8x768xf32, #tpu.memory_space<hbm>>
    tpu.enqueue_dma source(%arg5 : memref<8x768xf32, #tpu.memory_space<vmem>>) target(%dma_start3A_51 : memref<8x768xf32, #tpu.memory_space<hbm>>) target_semaphore(%arg8 : memref<!tpu.dma_semaphore, #tpu.memory_space<semaphore_mem>>)
    %dma_wait3A_52 = arith.constant 0 : i32
    %dma_wait3A_53 = arith.constant 0 : i32
    %dma_wait3A_54 = tpu.memref_slice %arg3[%dma_wait3A_52, %add3A_44, %dma_wait3A_53] : memref<1x1025x768xf32, #tpu.memory_space<hbm>> -> memref<1x8x768xf32, #tpu.memory_space<hbm>>
    %dma_wait3A_55 = tpu.memref_squeeze %dma_wait3A_54 : memref<1x8x768xf32, #tpu.memory_space<hbm>> -> memref<8x768xf32, #tpu.memory_space<hbm>>
    %dma_wait3A_56 = arith.constant 0 : i32
    %dma_wait3A_57 = tpu.memref_slice %arg3[%dma_wait3A_52, %add3A_44, %dma_wait3A_56] : memref<1x1025x768xf32, #tpu.memory_space<hbm>> -> memref<1x8x768xf32, #tpu.memory_space<hbm>>
    %dma_wait3A_58 = tpu.memref_squeeze %dma_wait3A_57 : memref<1x8x768xf32, #tpu.memory_space<hbm>> -> memref<8x768xf32, #tpu.memory_space<hbm>>
    tpu.wait_dma2 semaphore(%arg8 : memref<!tpu.dma_semaphore, #tpu.memory_space<semaphore_mem>>) src(%arg5 : memref<8x768xf32, #tpu.memory_space<vmem>>) dst(%dma_wait3A_58 : memref<8x768xf32, #tpu.memory_space<hbm>>)
    %add3A_59 = arith.constant 24 : i32
    %add3A_60 = arith.addi %mul3A_2, %add3A_59 : i32
    %dma_start3A_61 = arith.constant 0 : i32
    %dma_start3A_62 = tpu.memref_slice %arg2[%add3A_60, %dma_start3A_61] : memref<1025x768xf32, #tpu.memory_space<hbm>> -> memref<8x768xf32, #tpu.memory_space<hbm>>
    %dma_start3A_63 = arith.constant 0 : i32
    %dma_start3A_64 = tpu.memref_slice %arg2[%add3A_60, %dma_start3A_63] : memref<1025x768xf32, #tpu.memory_space<hbm>> -> memref<8x768xf32, #tpu.memory_space<hbm>>
    tpu.enqueue_dma source(%dma_start3A_64 : memref<8x768xf32, #tpu.memory_space<hbm>>) target(%arg5 : memref<8x768xf32, #tpu.memory_space<vmem>>) target_semaphore(%arg8 : memref<!tpu.dma_semaphore, #tpu.memory_space<semaphore_mem>>)
    %dma_wait3A_65 = arith.constant 0 : i32
    %dma_wait3A_66 = tpu.memref_slice %arg2[%add3A_34, %dma_wait3A_65] : memref<1025x768xf32, #tpu.memory_space<hbm>> -> memref<8x768xf32, #tpu.memory_space<hbm>>
    %dma_wait3A_67 = arith.constant 0 : i32
    %dma_wait3A_68 = tpu.memref_slice %arg2[%add3A_34, %dma_wait3A_67] : memref<1025x768xf32, #tpu.memory_space<hbm>> -> memref<8x768xf32, #tpu.memory_space<hbm>>
    tpu.wait_dma2 semaphore(%arg7 : memref<!tpu.dma_semaphore, #tpu.memory_space<semaphore_mem>>) src(%dma_wait3A_68 : memref<8x768xf32, #tpu.memory_space<hbm>>) dst(%arg4 : memref<8x768xf32, #tpu.memory_space<vmem>>)
    %add3A_69 = arith.constant 16 : i32
    %add3A_70 = arith.addi %mul3A_2, %add3A_69 : i32
    %dma_start3A_71 = arith.constant 0 : i32
    %dma_start3A_72 = arith.constant 0 : i32
    %dma_start3A_73 = tpu.memref_slice %arg3[%dma_start3A_71, %add3A_70, %dma_start3A_72] : memref<1x1025x768xf32, #tpu.memory_space<hbm>> -> memref<1x8x768xf32, #tpu.memory_space<hbm>>
    %dma_start3A_74 = tpu.memref_squeeze %dma_start3A_73 : memref<1x8x768xf32, #tpu.memory_space<hbm>> -> memref<8x768xf32, #tpu.memory_space<hbm>>
    %dma_start3A_75 = arith.constant 0 : i32
    %dma_start3A_76 = tpu.memref_slice %arg3[%dma_start3A_71, %add3A_70, %dma_start3A_75] : memref<1x1025x768xf32, #tpu.memory_space<hbm>> -> memref<1x8x768xf32, #tpu.memory_space<hbm>>
    %dma_start3A_77 = tpu.memref_squeeze %dma_start3A_76 : memref<1x8x768xf32, #tpu.memory_space<hbm>> -> memref<8x768xf32, #tpu.memory_space<hbm>>
    tpu.enqueue_dma source(%arg4 : memref<8x768xf32, #tpu.memory_space<vmem>>) target(%dma_start3A_77 : memref<8x768xf32, #tpu.memory_space<hbm>>) target_semaphore(%arg7 : memref<!tpu.dma_semaphore, #tpu.memory_space<semaphore_mem>>)
    %dma_wait3A_78 = arith.constant 0 : i32
    %dma_wait3A_79 = tpu.memref_slice %arg2[%add3A_60, %dma_wait3A_78] : memref<1025x768xf32, #tpu.memory_space<hbm>> -> memref<8x768xf32, #tpu.memory_space<hbm>>
    %dma_wait3A_80 = arith.constant 0 : i32
    %dma_wait3A_81 = tpu.memref_slice %arg2[%add3A_60, %dma_wait3A_80] : memref<1025x768xf32, #tpu.memory_space<hbm>> -> memref<8x768xf32, #tpu.memory_space<hbm>>
    tpu.wait_dma2 semaphore(%arg8 : memref<!tpu.dma_semaphore, #tpu.memory_space<semaphore_mem>>) src(%dma_wait3A_81 : memref<8x768xf32, #tpu.memory_space<hbm>>) dst(%arg5 : memref<8x768xf32, #tpu.memory_space<vmem>>)
    %add3A_82 = arith.constant 24 : i32
    %add3A_83 = arith.addi %mul3A_2, %add3A_82 : i32
    %dma_start3A_84 = arith.constant 0 : i32
    %dma_start3A_85 = arith.constant 0 : i32
    %dma_start3A_86 = tpu.memref_slice %arg3[%dma_start3A_84, %add3A_83, %dma_start3A_85] : memref<1x1025x768xf32, #tpu.memory_space<hbm>> -> memref<1x8x768xf32, #tpu.memory_space<hbm>>
    %dma_start3A_87 = tpu.memref_squeeze %dma_start3A_86 : memref<1x8x768xf32, #tpu.memory_space<hbm>> -> memref<8x768xf32, #tpu.memory_space<hbm>>
    %dma_start3A_88 = arith.constant 0 : i32
    %dma_start3A_89 = tpu.memref_slice %arg3[%dma_start3A_84, %add3A_83, %dma_start3A_88] : memref<1x1025x768xf32, #tpu.memory_space<hbm>> -> memref<1x8x768xf32, #tpu.memory_space<hbm>>
    %dma_start3A_90 = tpu.memref_squeeze %dma_start3A_89 : memref<1x8x768xf32, #tpu.memory_space<hbm>> -> memref<8x768xf32, #tpu.memory_space<hbm>>
    tpu.enqueue_dma source(%arg5 : memref<8x768xf32, #tpu.memory_space<vmem>>) target(%dma_start3A_90 : memref<8x768xf32, #tpu.memory_space<hbm>>) target_semaphore(%arg8 : memref<!tpu.dma_semaphore, #tpu.memory_space<semaphore_mem>>)
    %eq3A = arith.constant 31 : i32
    %eq3A_91 = arith.cmpi eq, %add3A, %eq3A : i32
    %convert_element_type3A = arith.extui %eq3A_91 : i1 to i32
    %cond3A = arith.constant 0 : i32
    %cond3A_92 = arith.cmpi ne, %convert_element_type3A, %cond3A : i32
    scf.if %cond3A_92 {
      %dma_start3A_107 = arith.constant 1024 : i32
      %dma_start3A_108 = arith.constant 0 : i32
      %dma_start3A_109 = tpu.memref_slice %arg2[%dma_start3A_107, %dma_start3A_108] : memref<1025x768xf32, #tpu.memory_space<hbm>> -> memref<1x768xf32, #tpu.memory_space<hbm>>
      %dma_start3A_110 = arith.constant 1024 : i32
      %dma_start3A_111 = arith.constant 0 : i32
      %dma_start3A_112 = tpu.memref_slice %arg2[%dma_start3A_110, %dma_start3A_111] : memref<1025x768xf32, #tpu.memory_space<hbm>> -> memref<1x768xf32, #tpu.memory_space<hbm>>
      tpu.enqueue_dma source(%dma_start3A_112 : memref<1x768xf32, #tpu.memory_space<hbm>>) target(%arg6 : memref<1x768xf32, #tpu.memory_space<vmem>>) target_semaphore(%arg9 : memref<!tpu.dma_semaphore, #tpu.memory_space<semaphore_mem>>)
      %dma_wait3A_113 = arith.constant 1024 : i32
      %dma_wait3A_114 = arith.constant 0 : i32
      %dma_wait3A_115 = tpu.memref_slice %arg2[%dma_wait3A_113, %dma_wait3A_114] : memref<1025x768xf32, #tpu.memory_space<hbm>> -> memref<1x768xf32, #tpu.memory_space<hbm>>
      %dma_wait3A_116 = arith.constant 1024 : i32
      %dma_wait3A_117 = arith.constant 0 : i32
      %dma_wait3A_118 = tpu.memref_slice %arg2[%dma_wait3A_116, %dma_wait3A_117] : memref<1025x768xf32, #tpu.memory_space<hbm>> -> memref<1x768xf32, #tpu.memory_space<hbm>>
      tpu.wait_dma2 semaphore(%arg9 : memref<!tpu.dma_semaphore, #tpu.memory_space<semaphore_mem>>) src(%dma_wait3A_118 : memref<1x768xf32, #tpu.memory_space<hbm>>) dst(%arg6 : memref<1x768xf32, #tpu.memory_space<vmem>>)
      %dma_start3A_119 = arith.constant 0 : i32
      %dma_start3A_120 = arith.constant 1024 : i32
      %dma_start3A_121 = arith.constant 0 : i32
      %dma_start3A_122 = tpu.memref_slice %arg3[%dma_start3A_119, %dma_start3A_120, %dma_start3A_121] : memref<1x1025x768xf32, #tpu.memory_space<hbm>> -> memref<1x1x768xf32, #tpu.memory_space<hbm>>
      %dma_start3A_123 = tpu.memref_squeeze %dma_start3A_122 : memref<1x1x768xf32, #tpu.memory_space<hbm>> -> memref<1x768xf32, #tpu.memory_space<hbm>>
      %dma_start3A_124 = arith.constant 1024 : i32
      %dma_start3A_125 = arith.constant 0 : i32
      %dma_start3A_126 = tpu.memref_slice %arg3[%dma_start3A_119, %dma_start3A_124, %dma_start3A_125] : memref<1x1025x768xf32, #tpu.memory_space<hbm>> -> memref<1x1x768xf32, #tpu.memory_space<hbm>>
      %dma_start3A_127 = tpu.memref_squeeze %dma_start3A_126 : memref<1x1x768xf32, #tpu.memory_space<hbm>> -> memref<1x768xf32, #tpu.memory_space<hbm>>
      tpu.enqueue_dma source(%arg6 : memref<1x768xf32, #tpu.memory_space<vmem>>) target(%dma_start3A_127 : memref<1x768xf32, #tpu.memory_space<hbm>>) target_semaphore(%arg9 : memref<!tpu.dma_semaphore, #tpu.memory_space<semaphore_mem>>)
      %dma_wait3A_128 = arith.constant 0 : i32
      %dma_wait3A_129 = arith.constant 1024 : i32
      %dma_wait3A_130 = arith.constant 0 : i32
      %dma_wait3A_131 = tpu.memref_slice %arg3[%dma_wait3A_128, %dma_wait3A_129, %dma_wait3A_130] : memref<1x1025x768xf32, #tpu.memory_space<hbm>> -> memref<1x1x768xf32, #tpu.memory_space<hbm>>
      %dma_wait3A_132 = tpu.memref_squeeze %dma_wait3A_131 : memref<1x1x768xf32, #tpu.memory_space<hbm>> -> memref<1x768xf32, #tpu.memory_space<hbm>>
      %dma_wait3A_133 = arith.constant 1024 : i32
      %dma_wait3A_134 = arith.constant 0 : i32
      %dma_wait3A_135 = tpu.memref_slice %arg3[%dma_wait3A_128, %dma_wait3A_133, %dma_wait3A_134] : memref<1x1025x768xf32, #tpu.memory_space<hbm>> -> memref<1x1x768xf32, #tpu.memory_space<hbm>>
      %dma_wait3A_136 = tpu.memref_squeeze %dma_wait3A_135 : memref<1x1x768xf32, #tpu.memory_space<hbm>> -> memref<1x768xf32, #tpu.memory_space<hbm>>
      tpu.wait_dma2 semaphore(%arg9 : memref<!tpu.dma_semaphore, #tpu.memory_space<semaphore_mem>>) src(%arg6 : memref<1x768xf32, #tpu.memory_space<vmem>>) dst(%dma_wait3A_136 : memref<1x768xf32, #tpu.memory_space<hbm>>)
    } else {
    }
    %dma_wait3A_93 = arith.constant 0 : i32
    %dma_wait3A_94 = arith.constant 0 : i32
    %dma_wait3A_95 = tpu.memref_slice %arg3[%dma_wait3A_93, %add3A_70, %dma_wait3A_94] : memref<1x1025x768xf32, #tpu.memory_space<hbm>> -> memref<1x8x768xf32, #tpu.memory_space<hbm>>
    %dma_wait3A_96 = tpu.memref_squeeze %dma_wait3A_95 : memref<1x8x768xf32, #tpu.memory_space<hbm>> -> memref<8x768xf32, #tpu.memory_space<hbm>>
    %dma_wait3A_97 = arith.constant 0 : i32
    %dma_wait3A_98 = tpu.memref_slice %arg3[%dma_wait3A_93, %add3A_70, %dma_wait3A_97] : memref<1x1025x768xf32, #tpu.memory_space<hbm>> -> memref<1x8x768xf32, #tpu.memory_space<hbm>>
    %dma_wait3A_99 = tpu.memref_squeeze %dma_wait3A_98 : memref<1x8x768xf32, #tpu.memory_space<hbm>> -> memref<8x768xf32, #tpu.memory_space<hbm>>
    tpu.wait_dma2 semaphore(%arg7 : memref<!tpu.dma_semaphore, #tpu.memory_space<semaphore_mem>>) src(%arg4 : memref<8x768xf32, #tpu.memory_space<vmem>>) dst(%dma_wait3A_99 : memref<8x768xf32, #tpu.memory_space<hbm>>)
    %dma_wait3A_100 = arith.constant 0 : i32
    %dma_wait3A_101 = arith.constant 0 : i32
    %dma_wait3A_102 = tpu.memref_slice %arg3[%dma_wait3A_100, %add3A_83, %dma_wait3A_101] : memref<1x1025x768xf32, #tpu.memory_space<hbm>> -> memref<1x8x768xf32, #tpu.memory_space<hbm>>
    %dma_wait3A_103 = tpu.memref_squeeze %dma_wait3A_102 : memref<1x8x768xf32, #tpu.memory_space<hbm>> -> memref<8x768xf32, #tpu.memory_space<hbm>>
    %dma_wait3A_104 = arith.constant 0 : i32
    %dma_wait3A_105 = tpu.memref_slice %arg3[%dma_wait3A_100, %add3A_83, %dma_wait3A_104] : memref<1x1025x768xf32, #tpu.memory_space<hbm>> -> memref<1x8x768xf32, #tpu.memory_space<hbm>>
    %dma_wait3A_106 = tpu.memref_squeeze %dma_wait3A_105 : memref<1x8x768xf32, #tpu.memory_space<hbm>> -> memref<8x768xf32, #tpu.memory_space<hbm>>
    tpu.wait_dma2 semaphore(%arg8 : memref<!tpu.dma_semaphore, #tpu.memory_space<semaphore_mem>>) src(%arg5 : memref<8x768xf32, #tpu.memory_space<vmem>>) dst(%dma_wait3A_106 : memref<8x768xf32, #tpu.memory_space<hbm>>)
    return
  }
}

</mosaic_0001>

<sc_bundles>
// kernel: kernel.3.cloned.1.call-start
scs
__scs_entry_jumppad:
0x0: {  	(pc) =	sbr.rel $0x88, $3  }
0x1: {  	(tag) =	ssettag $0x0;
	lr =	simm.s32 $0x1  }
0x2: {  	[smem:$0x3FA0] =	sst lr;
	_ =	strace $0xD0000000  }
0x3: {  	_ = 	snop  }
0x4: {  	_ = 	snop  }
0x5: {  	_ = 	snop  }
0x6: {  	_ = 	snop  }
0x7: {  	_ = 	snop  }
__scs_overlays_trampoline_lowered:
0x8: {  	[smem:$0x3FAF] =	sst s0  }
0x9: {  	[smem:$0x3FB0] =	sst s1  }
0xa: {  	[smem:$0x3FB1] =	sst s2  }
0xb: {  	[smem:$0x3FB2] =	sst s3  }
0xc: {  	[smem:$0x3FB3] =	sst s4  }
0xd: {  	[smem:$0x3FB4] =	sst s5  }
0xe: {  	[smem:$0x3FB5] =	sst s6  }
0xf: {  	[smem:$0x3FB6] =	sst s7  }
0x10: {  	[smem:$0x3FB7] =	sst s8  }
0x11: {  	[smem:$0x3FB8] =	sst s9;
	s0 =	simm.s32 @!p0 $0x0  }
0x12: {  	s1 =	sld [smem:$0x3F9E];
	s0 =	simm.s32 @p0 $0x1  }
0x13: {  	[smem:$0x3FB9] =	sst s0;
	s0 =	simm.s32 @!p1 $0x0  }
0x14: {  	s2 =	sld [smem:$0x3F9D];
	s0 =	simm.s32 @p1 $0x1  }
0x15: {  	[smem:$0x3FBA] =	sst s0;
	s0 =	simm.s32 @!p2 $0x0  }
0x16: {  	s3 =	sld [smem:$0x3FDB];
	s0 =	simm.s32 @p2 $0x1  }
0x17: {  	s4 =	simm.s32 $0x1BF5;
	[smem:$0x3FBC] =	sst s0  }
0x18: {  	s0 =	sld [smem:$0x3F9F];
	_ =	swait.ge [sflag:s4], $0x0  }
0x19: {  	s7 =	sld [smem:$0x3FA0]  }
0x1a: {  	s8 =	sadd.s32 $0xFFFFE003, lr  }
0x1b: {  	s9 =	sadd.s32 $0xFFFFFEF7, lr;
	s5 =	simm.s32 $0xFFFFFFFF;
	p2 =	slt.u32 s8, $0xFFFFF086  }
0x1c: {  	p1 =	slt.u32 s9, $0xF7A;
	s5 =	simm.s32 @!p2 $0x0  }
0x1d: {  	s5 =	simm.s32 @p1 $0x1;
	p0 =	seq.s32 s7, s2  }
0x1e: {  	s7 =	smul.u32 @!p0 $0xF7A, s2;
	p2 =	seq.s32 @!p0 s5, $0x0  }
0x1f: {  	s9 =	smul.u32 $0xF7A, s1;
	s8 =	simm.s32 @!p0 $0x1BF5;
	p2 =	por !p2, p0  }
0x20: {  	[sflag:s8] =	ssyncset.s32 @!p0 $0xFFFFF086;
	s6 =	sadd.s32 @!p0 s3, s7;
	s7 =	simm.s32 @!p0 $0x108  }
0x21: {  	s3 =	sadd.s32 s3, s9;
	s6 =	sadd.s32 @!p0 $0x88, s6;
	s7 =	simm.s32 @p2 $0x1082  }
0x22: {  	[simem:s7], [sflag:s8] =	dma.local @!p0 [hbm:s6], $0xF7A  }
0x23: {  	s9 =	sor.u32 $0xD0000000, s2;
	s6 =	simm.s32 $0x108;
	_ =	swait.ge @!p0 [sflag:s8], $0x0  }
0x24: {  	s3 =	sadd.s32 $0x88, s3;
	s6 =	simm.s32 @!p1 $0x1082;
	[sflag:s4] =	ssyncset.s32 $0xFFFFF086  }
0x25: {  	[simem:s6], [sflag:s4] =	dma.local [hbm:s3], $0xF7A  }
0x26: {  	[smem:$0x3FA0] =	sst s1;
	(tag) =	ssettag s2;
	_ =	strace s9  }
0x27: {  	s1 =	sld [smem:$0x3FB0]  }
0x28: {  	s2 =	sld [smem:$0x3FB1]  }
0x29: {  	s4 =	sld [smem:$0x3FB3]  }
0x2a: {  	p0 =	seq.s32 s5, $0x0;
	s5 =	sld [smem:$0x3FB4]  }
0x2b: {  	s6 =	sld [smem:$0x3FB5]  }
0x2c: {  	s7 =	sld [smem:$0x3FB6]  }
0x2d: {  	s3 =	simm.s32 $0x108;
	s8 =	sld [smem:$0x3FB7]  }
0x2e: {  	s3 =	simm.s32 @!p0 $0x1082;
	s9 =	sld [smem:$0x3FB8]  }
0x2f: {  	lr =	sadd.s32 s0, s3;
	s0 =	sld [smem:$0x3FAF]  }
0x30: {  	s3 =	sld [smem:$0x3FB2]  }
0x31: {  	[smem:$0x3FBB] =	sst s10  }
0x32: {  	s10 =	sld [smem:$0x3FB9];
	_ =	sdelay $0x3  }
0x33: {  	p0 =	seq.s32 s10, $0x1;
	s10 =	sld [smem:$0x3FBB];
	_ =	sdelay $0x3  }
0x34: {  	[smem:$0x3FBB] =	sst s10  }
0x35: {  	s10 =	sld [smem:$0x3FBA];
	_ =	sdelay $0x3  }
0x36: {  	p1 =	seq.s32 s10, $0x1;
	s10 =	sld [smem:$0x3FBB];
	_ =	sdelay $0x3  }
0x37: {  	[smem:$0x3FBB] =	sst s10  }
0x38: {  	s10 =	sld [smem:$0x3FBC]  }
0x39: {  	_ = 	snop;
	(pc) =	sbr.ind lr, $3  }
0x3a: {  	_ = 	snop  }
0x3b: {  	_ = 	snop  }
0x3c: {  	p2 =	seq.s32 s10, $0x1;
	s10 =	sld [smem:$0x3FBB]  }
0x3d: {  	_ =	shalt  }
0x3e: {  	_ =	shalt  }
0x3f: {  	_ =	shalt  }
0x40: {  	_ =	shalt  }
0x41: {  	_ =	shalt  }
0x42: {  	_ =	shalt  }
0x43: {  	_ =	shalt  }
0x44: {  	_ =	shalt  }
0x45: {  	_ =	shalt  }
0x46: {  	_ =	shalt  }
0x47: {  	_ =	shalt  }
0x48: {  	_ =	shalt  }
0x49: {  	_ =	shalt  }
0x4a: {  	_ =	shalt  }
0x4b: {  	_ =	shalt  }
0x4c: {  	_ =	shalt  }
0x4d: {  	_ =	shalt  }
0x4e: {  	_ =	shalt  }
0x4f: {  	_ =	shalt  }
0x50: {  	_ =	shalt  }
0x51: {  	_ =	shalt  }
0x52: {  	_ =	shalt  }
0x53: {  	_ =	shalt  }
0x54: {  	_ =	shalt  }
0x55: {  	_ =	shalt  }
0x56: {  	_ =	shalt  }
0x57: {  	_ =	shalt  }
0x58: {  	_ =	shalt  }
0x59: {  	_ =	shalt  }
0x5a: {  	_ =	shalt  }
0x5b: {  	_ =	shalt  }
0x5c: {  	_ =	shalt  }
0x5d: {  	_ =	shalt  }
0x5e: {  	_ =	shalt  }
0x5f: {  	_ =	shalt  }
0x60: {  	_ =	shalt  }
0x61: {  	_ =	shalt  }
0x62: {  	_ =	shalt  }
0x63: {  	_ =	shalt  }
0x64: {  	_ =	shalt  }
0x65: {  	_ =	shalt  }
0x66: {  	_ =	shalt  }
0x67: {  	_ =	shalt  }
0x68: {  	_ =	shalt  }
0x69: {  	_ =	shalt  }
0x6a: {  	_ =	shalt  }
0x6b: {  	_ =	shalt  }
0x6c: {  	_ =	shalt  }
0x6d: {  	_ =	shalt  }
0x6e: {  	_ =	shalt  }
0x6f: {  	_ =	shalt  }
0x70: {  	_ =	shalt  }
0x71: {  	_ =	shalt  }
0x72: {  	_ =	shalt  }
0x73: {  	_ =	shalt  }
0x74: {  	_ =	shalt  }
0x75: {  	_ =	shalt  }
0x76: {  	_ =	shalt  }
0x77: {  	_ =	shalt  }
0x78: {  	_ =	shalt  }
0x79: {  	_ =	shalt  }
0x7a: {  	_ =	shalt  }
0x7b: {  	_ =	shalt  }
0x7c: {  	_ =	shalt  }
0x7d: {  	_ =	shalt  }
0x7e: {  	_ =	shalt  }
0x7f: {  	_ =	shalt  }
0x80: {  	_ =	shalt  }
0x81: {  	_ =	shalt  }
0x82: {  	_ =	shalt  }
0x83: {  	_ =	shalt  }
0x84: {  	_ =	shalt  }
0x85: {  	_ =	shalt  }
0x86: {  	_ =	shalt  }
0x87: {  	_ =	shalt  }
.Lfunc_end0:
.L_simem_size_0:
called_computation_lowered:
.L_overlay_start_0:
0x88: {  	s2 =	sld [smem:$0x3FD9]  }
0x89: {  	s3 =	sld [smem:$0x3FFE];
	_ =	sdelay $0x1  }
0x8a: {  	s1 =	srdreg.scid  }
0x8b: {  	s0 =	sand.u32 $0x1, s1  }
0x8c: {  	s17 =	sshll.u32 s0, $0xA;
	s2 =	sadd.s32 s3, s2  }
0x8d: {  	s2 =	sadd.s32 s2, s17  }
0x8e: {  	[smem:$0x3FC7] =	sst s2  }
0x8f: {  	_ = 	snop  }
0x90: {  	s2 =	sld [smem:$0x3FC9];
	(tm) =	ssettm $0x1  }
0x91: {  	s18 =	sld [smem:$0x3FFB];
	_ =	sdelay $0x3  }
0x92: {  	_ =	strace s18  }
0x93: {  	s3 =	sld [smem:$0x3FFC];
	_ =	sdelay $0x3  }
0x94: {  	_ =	strace s3  }
0x95: {  	s3 =	sld [smem:$0x3FFD];
	_ =	sdelay $0x3  }
0x96: {  	_ =	strace s3  }
0x97: {  	_ =	strace $0x8FFFFFFF  }
0x98: {  	s19 =	sld [smem:$0x3FDB];
	_ =	sdelay $0x1  }
0x99: {  	s4 =	simm.s32 $_scs_section_size  }
0x9a: {  	s5 =	simm.s32 $_size__tile_overlayer_lowered;
	s6 =	simm.s32 $_tile_overlayer_lowered  }
0x9b: {  	s22 =	simm.s32 $0x1BFF;
	s21 =	sshll.u32 s6, $0x1;
	s3 =	sadd.s32 s4, s19  }
0x9c: {  	s7 =	simm.s32 $0x0;
	s20 =	sshll.u32 s5, $0x1;
	s5 =	sadd.s32 s21, s3  }
0x9d: {  	[timem:s7], [sflag:s22] =	dma.local [hbm:s5], s20  }
0x9e: {  	_ =	swait.ge [sflag:s22], s20  }
0x9f: {  	s4 =	ssub.s32 $0x0, s20;
	[sflag:s22] =	ssyncset.done $0x0  }
0xa0: {  	[sflag:s22] =	ssyncadd.s32 s4;
	_ =	sdelay $0x1  }
0xa1: {  	s23 =	simm.s32 $0x1B8B  }
0xa2: {  	_ =	swait.ge [sflag:s23], $0x1  }
0xa3: {  	[sflag:s23] =	ssyncset.done $0x0  }
0xa4: {  	s25 =	simm.s32 $0x1B8E;
	s24 =	sld [smem:$0x3FFE];
	[sflag:s23] =	ssyncadd.s32 $0xFFFFFFFF  }
0xa5: {  	s26 =	simm.s32 $execute0_lowered;
	[smem:$0x3FD2] =	sst s25  }
0xa6: {  	s5 =	sshll.u32 s26, $0x1;
	_ =	strace $0x80000046;
	[dreg:$0x1] =	wrdreg $0xFFFFFFFF  }
0xa7: {  	s28 =	simm.s32 $_size_execute0_lowered;
	s3 =	sadd.s32 s3, s5;
	[dreg:$0x0] =	wrdreg $0x0  }
0xa8: {  	s5 =	sshll.u32 s28, $0x1;
	[dreg:$0x2] =	wrdreg s3  }
0xa9: {  	[dreg:$0x3] =	wrdreg s5  }
0xaa: {  	[dreg:$0x4] =	wrdreg $0xC0  }
0xab: {  	_ =	task [dreg:s7], $0x5FFFF  }
0xac: {  	[dreg:$0x1] =	wrdreg $0xFFFFFFFF  }
0xad: {  	[dreg:$0x0] =	wrdreg $0x60  }
0xae: {  	[dreg:$0x2] =	wrdreg s2  }
0xaf: {  	[dreg:$0x3] =	wrdreg s24  }
0xb0: {  	[dreg:$0x4] =	wrdreg $0x9  }
0xb1: {  	_ =	task.clear_ibuf [dreg:s7], $0x5FFFF;
	_ =	strace $0x90000046  }
0xb2: {  	s29 =	simm.s32 $0x9;
	_ =	strace $0x80000048  }
0xb3: {  	_ =	swait.ge [sflag:s29], $0x1  }
0xb4: {  	[sflag:s29] =	ssyncadd.s32 $0xFFFFFFFF  }
0xb5: {  	_ =	strace $0x90000048  }
0xb6: {  	_ =	sfence  }
0xb7: {  	s30 =	sld [smem:$0x0];
	_ =	sdelay $0x2  }
0xb8: {  	s31 =	sshll.u32 s1, $0xD;
	s1 =	sshrl.u32 s1, $0x2  }
0xb9: {  	s3 =	sand.u32 $0x4000, s31;
	s1 =	sadd.s32 s1, s30  }
0xba: {  	s0 =	sor.u32 s3, s0;
	s1 =	sshll.u32 s1, $0x11  }
0xbb: {  	s0 =	sor.u32 s1, s0  }
0xbc: {  	s0 =	sadd.s32 $0x8F2B, s0  }
0xbd: {  	[sflag:s0] =	ssyncadd.remote.s32 $0x1  }
0xbe: {  	_ =	sfence.sel $0xFFFF  }
0xbf: {  	[dreg:$0x0] =	wrdreg $0xFFFFFFFF;
	(pc) =	sbr.abs _section_cstart, $3  }
0xc0: {  	[dreg:$0x1] =	wrdreg $0xFFFFFFFF  }
0xc1: {  	_ =	task.clear_ibuf [dreg:s7], $0x2FFFF;
	_ =	strace $0x9FFFFFFF  }
0xc2: {  	(tm) =	ssettm $0x7FFFFFFF  }
0xc3: {  	_ =	shalt  }
tec
execute0_lowered:
.L_overlay_start_1:
0x0: {  	(tag) =	ssettag $0x1  }
0x1: {  	s1 =	srdreg.scid;
	s0 =	stileid.u32  }
0x2: {  	s14 =	rddreg [dreg:$0x0];
	s20 =	sand.u32 $0x1, s1;
	s31 =	sshll.u32 s0, $0x1  }
0x3: {  	s19 =	rddreg [dreg:$0x1];
	s15 =	sor.u32 s20, s31  }
0x4: {  	s2 =	simm.s32 $0x0;
	s1 =	rddreg [dreg:$0x2];
	s7 =	smul.u32 $0xC00, s15  }
0x5: {  	[smem:$0x7FF] =	sst s2  }
0x6: {  	_ =	strace $0x80000047;
	s3 =	sadd.s32 s14, s7;
	s10 =	sor.u32 $0x300, s7  }
0x7: {  	[tilespmem:s2], [sflag:$0x1] =	stream.linear.gather [hbm4b:s3+s2], $0x1800, $0x38;
	[tilespmem:$0x3300] =	vst v63  }
0x8: {  	s5 =	simm.s32 $0x1800;
	s6 =	simm.s32 $0x1;
	s4 =	sadd.s32 s14, s10  }
0x9: {  	[tilespmem:s5], [sflag:$0x2] =	stream.linear.gather [hbm4b:s4+s2], $0x1800, $0x38;
	[tilespmem:$0x3300] =	vst v63  }
0xa: {  	_ =	swait.ge [sflag:s6], $0x1800  }
0xb: {  	s13 =	sadd.s32 $0x400, s19;
	[sflag:s6] =	ssyncset.done $0x0  }
0xc: {  	s8 =	smul.u32 $0x6000, s15;
	s7 =	sadd.s32 s13, s7;
	[sflag:s6] =	ssyncadd.s32 $0xFFFFE800  }
0xd: {  	[hbm4b:s7+s2] =	stream.linear.scatter [tilespmem:s2], [sflag:$0x1], $0x1800, $0x38;
	[tilespmem:$0x3300] =	vst v63  }
0xe: {  	s11 =	sshrl.u32 s8, $0x3;
	_ =	swait.ge [sflag:s6], $0x1800  }
0xf: {  	s12 =	sadd.s32 $0x600, s11;
	[sflag:s6] =	ssyncset.done $0x0  }
0x10: {  	s8 =	simm.s32 $0x2;
	s9 =	sadd.s32 s14, s12;
	[sflag:s6] =	ssyncadd.s32 $0xFFFFE800  }
0x11: {  	[tilespmem:s2], [sflag:$0x1] =	stream.linear.gather [hbm4b:s9+s2], $0x1800, $0x38;
	[tilespmem:$0x3300] =	vst v63  }
0x12: {  	_ =	swait.ge [sflag:s8], $0x1800  }
0x13: {  	[sflag:s8] =	ssyncset.done $0x0  }
0x14: {  	s10 =	sadd.s32 s13, s10;
	[sflag:s8] =	ssyncadd.s32 $0xFFFFE800  }
0x15: {  	[hbm4b:s10+s2] =	stream.linear.scatter [tilespmem:s5], [sflag:$0x2], $0x1800, $0x38;
	[tilespmem:$0x3300] =	vst v63  }
0x16: {  	_ =	swait.ge [sflag:s8], $0x1800  }
0x17: {  	s16 =	sadd.s32 $0x900, s11;
	[sflag:s8] =	ssyncset.done $0x0  }
0x18: {  	s11 =	sadd.s32 s14, s16;
	[sflag:s8] =	ssyncadd.s32 $0xFFFFE800  }
0x19: {  	[tilespmem:s5], [sflag:$0x2] =	stream.linear.gather [hbm4b:s11+s2], $0x1800, $0x38;
	[tilespmem:$0x3300] =	vst v63  }
0x1a: {  	_ =	swait.ge [sflag:s6], $0x1800  }
0x1b: {  	[sflag:s6] =	ssyncset.done $0x0  }
0x1c: {  	s12 =	sadd.s32 s13, s12;
	[sflag:s6] =	ssyncadd.s32 $0xFFFFE800  }
0x1d: {  	[hbm4b:s12+s2] =	stream.linear.scatter [tilespmem:s2], [sflag:$0x1], $0x1800, $0x38;
	[tilespmem:$0x3300] =	vst v63  }
0x1e: {  	p0 =	sne.s32 s15, $0x1F;
	_ =	swait.ge [sflag:s8], $0x1800  }
0x1f: {  	s15 =	simm.s32 @!p0 $0x3;
	[sflag:s8] =	ssyncset.done $0x0  }
0x20: {  	s17 =	simm.s32 @!p0 $0x400;
	s13 =	sadd.s32 s13, s16;
	[sflag:s8] =	ssyncadd.s32 $0xFFFFE800  }
0x21: {  	[hbm4b:s13+s2] =	stream.linear.scatter [tilespmem:s5], [sflag:$0x2], $0x1800, $0x38;
	[tilespmem:$0x3300] =	vst v63  }
0x22: {  	s18 =	simm.s32 @!p0 $0x3000;
	s14 =	sadd.s32 $0x18000, s14;
	s16 =	simm.s32 @!p0 $0x80  }
0x23: {  	[tilespmem:s18], [sflag:$0x3] =	stream.strided.gather @!p0 [hbm4b:s14+s16], $0x300, s17, s16, $0x38;
	[tilespmem:$0x3300] =	vst v63  }
0x24: {  	s20 =	ssub.s32 $0x2, s20;
	_ =	swait.ge @!p0 [sflag:s15], $0x300  }
0x25: {  	s21 =	sshrl.u32 s20, $0x1;
	[sflag:s15] =	ssyncset.done @!p0 $0x0  }
0x26: {  	s19 =	sadd.s32 $0x18400, s19;
	s20 =	ssub.s32 s20, s21;
	[sflag:s15] =	ssyncadd.s32 @!p0 $0xFFFFFD00  }
0x27: {  	[hbm4b:s19+s16] =	stream.strided.scatter @!p0 [tilespmem:s18], [sflag:$0x3], $0x300, s17, s16, $0x38;
	[tilespmem:$0x3300] =	vst v63  }
0x28: {  	s20 =	smax.u32 s20, $0x1;
	_ =	swait.ge @!p0 [sflag:s15], $0x300  }
0x29: {  	s20 =	sadd.s32 $0xFFFFFFFF, s20;
	[sflag:s15] =	ssyncset.done @!p0 $0x0  }
0x2a: {  	p1 =	sne.s32 s20, $0x0;
	[sflag:s15] =	ssyncadd.s32 @!p0 $0xFFFFFD00  }
.Ltmp0:
0x2b: {  	_ =	swait.ge [sflag:s6], $0x1800;
	(pc) =	sbr.rel @!p1 .LBB2_2-.Ltmp0, $4  }
0x2c: {  	[sflag:s6] =	ssyncset.done $0x0  }
0x2d: {  	[sflag:s6] =	ssyncadd.s32 $0xFFFFE800  }
0x2e: {  	_ =	swait.ge [sflag:s8], $0x1800  }
0x2f: {  	[sflag:s8] =	ssyncset.done $0x0  }
.LBB2_1:
0x30: {  	s20 =	sadd.s32 $0xFFFFFFFF, s20;
	[sflag:s8] =	ssyncadd.s32 $0xFFFFE800  }
0x31: {  	[tilespmem:s2], [sflag:$0x1] =	stream.linear.gather [hbm4b:s3+s2], $0x1800, $0x38;
	[tilespmem:$0x3300] =	vst v63  }
0x32: {  	p1 =	sne.s32 s20, $0x0  }
0x33: {  	[tilespmem:s5], [sflag:$0x2] =	stream.linear.gather [hbm4b:s4+s2], $0x1800, $0x38;
	[tilespmem:$0x3300] =	vst v63  }
0x34: {  	_ =	swait.ge [sflag:s6], $0x1800  }
0x35: {  	[sflag:s6] =	ssyncset.done $0x0  }
0x36: {  	[sflag:s6] =	ssyncadd.s32 $0xFFFFE800  }
0x37: {  	[hbm4b:s7+s2] =	stream.linear.scatter [tilespmem:s2], [sflag:$0x1], $0x1800, $0x38;
	[tilespmem:$0x3300] =	vst v63  }
0x38: {  	_ =	swait.ge [sflag:s6], $0x1800  }
0x39: {  	[sflag:s6] =	ssyncset.done $0x0  }
0x3a: {  	[sflag:s6] =	ssyncadd.s32 $0xFFFFE800  }
0x3b: {  	[tilespmem:s2], [sflag:$0x1] =	stream.linear.gather [hbm4b:s9+s2], $0x1800, $0x38;
	[tilespmem:$0x3300] =	vst v63  }
0x3c: {  	_ =	swait.ge [sflag:s8], $0x1800  }
0x3d: {  	[sflag:s8] =	ssyncset.done $0x0  }
0x3e: {  	[sflag:s8] =	ssyncadd.s32 $0xFFFFE800  }
0x3f: {  	[hbm4b:s10+s2] =	stream.linear.scatter [tilespmem:s5], [sflag:$0x2], $0x1800, $0x38;
	[tilespmem:$0x3300] =	vst v63  }
0x40: {  	_ =	swait.ge [sflag:s8], $0x1800  }
0x41: {  	[sflag:s8] =	ssyncset.done $0x0  }
0x42: {  	[sflag:s8] =	ssyncadd.s32 $0xFFFFE800  }
0x43: {  	[tilespmem:s5], [sflag:$0x2] =	stream.linear.gather [hbm4b:s11+s2], $0x1800, $0x38;
	[tilespmem:$0x3300] =	vst v63  }
0x44: {  	_ =	swait.ge [sflag:s6], $0x1800  }
0x45: {  	[sflag:s6] =	ssyncset.done $0x0  }
0x46: {  	[sflag:s6] =	ssyncadd.s32 $0xFFFFE800  }
0x47: {  	[hbm4b:s12+s2] =	stream.linear.scatter [tilespmem:s2], [sflag:$0x1], $0x1800, $0x38;
	[tilespmem:$0x3300] =	vst v63  }
0x48: {  	_ =	swait.ge [sflag:s8], $0x1800  }
0x49: {  	[sflag:s8] =	ssyncset.done $0x0  }
0x4a: {  	[sflag:s8] =	ssyncadd.s32 $0xFFFFE800  }
0x4b: {  	[hbm4b:s13+s2] =	stream.linear.scatter [tilespmem:s5], [sflag:$0x2], $0x1800, $0x38;
	[tilespmem:$0x3300] =	vst v63  }
0x4c: {  	_ = 	snop  }
0x4d: {  	[tilespmem:s18], [sflag:$0x3] =	stream.strided.gather @!p0 [hbm4b:s14+s16], $0x300, s17, s16, $0x38;
	[tilespmem:$0x3300] =	vst v63  }
0x4e: {  	_ =	swait.ge @!p0 [sflag:s15], $0x300  }
0x4f: {  	[sflag:s15] =	ssyncset.done @!p0 $0x0  }
0x50: {  	[sflag:s15] =	ssyncadd.s32 @!p0 $0xFFFFFD00  }
0x51: {  	[hbm4b:s19+s16] =	stream.strided.scatter @!p0 [tilespmem:s18], [sflag:$0x3], $0x300, s17, s16, $0x38;
	[tilespmem:$0x3300] =	vst v63  }
0x52: {  	_ =	swait.ge @!p0 [sflag:s15], $0x300  }
0x53: {  	[sflag:s15] =	ssyncset.done @!p0 $0x0  }
0x54: {  	[sflag:s15] =	ssyncadd.s32 @!p0 $0xFFFFFD00  }
.Ltmp1:
0x55: {  	_ =	swait.ge [sflag:s6], $0x1800;
	(pc) =	sbr.rel @p1 .LBB2_1-.Ltmp1, $4  }
0x56: {  	[sflag:s6] =	ssyncset.done $0x0  }
0x57: {  	[sflag:s6] =	ssyncadd.s32 $0xFFFFE800  }
0x58: {  	_ =	swait.ge [sflag:s8], $0x1800  }
0x59: {  	[sflag:s8] =	ssyncset.done $0x0  }
.LBB2_2:
0x5a: {  	[sflag:s8] =	ssyncadd.s32 $0xFFFFE800  }
0x5b: {  	_ =	sfence.sel $0x180000  }
0x5c: {  	[bflag:$0x0] =	sbarrier.arrive $0xFFFF  }
0x5d: {  	p0 =	sne.s32 s0, $0x0;
	_ =	strace $0x90000047  }
0x5e: {  	s0 =	sadd.s32 @!p0 $0x100000, s1;
	[bflag:$0x2] =	sbarrier.arrive $0xFFFF  }
0x5f: {  	[sflag:s0] =	ssyncadd.tile.s32 @!p0 $0x1;
	_ =	shalt  }
.Lfunc_end2:
_tile_overlayer_lowered:
.L_overlay_start_2:
0x60: {  	(tag) =	ssettag $0x2  }
0x61: {  	s0 =	rddreg [dreg:$0x0];
	s2 =	stileid.u32  }
0x62: {  	s1 =	rddreg [dreg:$0x1];
	p0 =	sne.s32 s2, $0x0  }
0x63: {  	s3 =	rddreg [dreg:$0x2];
	[bflag:$0x3] =	sbarrier.arrive $0xFFFF;
	s2 =	simm.s32 @!p0 $0x1C04  }
0x64: {  	[timem:s3], [sflag:s2] =	dma.local @!p0 [hbm:s0], s1  }
0x65: {  	s0 =	simm.s32 @!p0 $0x4  }
0x66: {  	_ =	swait.ge @!p0 [sflag:s0], s1  }
0x67: {  	s1 =	ssub.s32 @!p0 $0x0, s1;
	[sflag:s0] =	ssyncset.done @!p0 $0x0  }
0x68: {  	[sflag:s0] =	ssyncadd.s32 @!p0 s1  }
0x69: {  	[bflag:$0x3] =	sbarrier.arrive $0xFFFF  }
0x6a: {  	_ =	shalt  }

</sc_bundles>
